<compile_context>
chip_gen: v7x
topology: tpu7x:2x2x1
jax: 0.10.2.dev20260603
libtpu: 0.0.44.dev20260713+nightly
codegen_flags: <defaults>
</compile_context>

<pallas_src>
import functools

import jax
import jax.numpy as jnp
from jax import lax
from jax.experimental import pallas as pl
from jax.experimental.pallas import tpu as pltpu
from jax.experimental.pallas import tpu_sc as plsc

B = 4096
L = 50
N_TOK = B * L
D = 64
IMG = 128
PK = 128

NC, NS = 2, 16
NW = NC * NS
TOK_PER_W = N_TOK // NW
IDX_VEC = 128
CHUNK_VECS = 5
CHUNK_ROWS = CHUNK_VECS * IDX_VEC
N_CHUNKS = TOK_PER_W // CHUNK_ROWS


@functools.partial(
    pl.kernel,
    mesh=plsc.VectorSubcoreMesh(core_axis_name="c", subcore_axis_name="s"),
    compiler_params=pltpu.CompilerParams(use_tc_tiling_on_sc=False),
    out_type=jax.ShapeDtypeStruct((N_TOK, PK), jnp.float32),
    scratch_types=[
        pltpu.VMEM((TOK_PER_W,), jnp.int32),
        pltpu.VMEM((CHUNK_ROWS, PK), jnp.float32),
        pltpu.SemaphoreType.DMA,
    ],
)
def _sc_gather(idx_hbm, table_hbm, out_hbm, idx_v, rows_v, sem):
    wid = lax.axis_index("s") * NC + lax.axis_index("c")
    pltpu.sync_copy(idx_hbm.at[wid], idx_v)

    def chunk_body(c, carry):
        copies = []
        for j in range(CHUNK_VECS):
            copies.append(
                pltpu.async_copy(
                    table_hbm.at[idx_v.at[pl.ds(c * CHUNK_ROWS + j * IDX_VEC, IDX_VEC)]],
                    rows_v.at[pl.ds(j * IDX_VEC, IDX_VEC)],
                    sem,
                )
            )
        for cp in copies:
            cp.wait()
        base = wid * TOK_PER_W + c * CHUNK_ROWS
        pltpu.sync_copy(rows_v, out_hbm.at[pl.ds(base, CHUNK_ROWS)])
        return carry

    lax.fori_loop(0, N_CHUNKS, chunk_body, 0)



BBL = 1024
N_BBL = B // BBL


def _tc_blend_body(img_ref, e_ref, mask_ref, par_ref, w_ref, b_ref, out_ref):
    x = img_ref[0]
    proj = jax.lax.dot_general(
        w_ref[...], x,
        dimension_numbers=(((0,), (1,)), ((), ())),
        preferred_element_type=jnp.float32,
    )
    proj = proj + b_ref[0]
    eT = e_ref[0].T
    el = eT[:D]
    er = eT[D:]
    p = par_ref[0].astype(jnp.float32)
    m = mask_ref[0].astype(jnp.float32)
    e = el + p * (er - el)
    out_ref[0] = e + m * (proj - e)


_tc_blend = pl.pallas_call(
    _tc_blend_body,
    grid=(L, N_BBL),
    in_specs=[
        pl.BlockSpec((1, BBL, IMG), lambda l, j: (l, j, 0)),
        pl.BlockSpec((1, BBL, PK), lambda l, j: (l, j, 0)),
        pl.BlockSpec((1, 1, BBL), lambda l, j: (l, 0, j)),
        pl.BlockSpec((1, 1, BBL), lambda l, j: (l, 0, j)),
        pl.BlockSpec((IMG, D), lambda l, j: (0, 0)),
        pl.BlockSpec((1, D, 1), lambda l, j: (0, 0, 0)),
    ],
    out_specs=pl.BlockSpec((1, D, BBL), lambda l, j: (l, 0, j)),
    out_shape=jax.ShapeDtypeStruct((L, D, B), jnp.float32),
)


def kernel(text_input_sequence, image_input_sequence, image_sequence_mask, table, W, b):
    idxP = text_input_sequence.astype(jnp.int32).T
    idxh32 = (idxP >> 1).reshape(NW, TOK_PER_W)
    parP = (idxP & 1).reshape(L, 1, B)
    tview = table.reshape(table.shape[0] // 2, PK)
    embs2 = _sc_gather(idxh32, tview)
    e3 = embs2.reshape(L, B, PK)
    imgP = jnp.transpose(image_input_sequence, (1, 0, 2))
    maskP = image_sequence_mask.T.reshape(L, 1, B)
    outP = _tc_blend(imgP, e3, maskP, parP, W, b.reshape(1, D, 1))
    return jnp.transpose(outP, (2, 0, 1))

# --- scband reference (transcript-rebuilt; emitter-appended) ---
"""Pipeline reference for scband-multimodal-embedding-79534204387584 (READ-ONLY COPY).

The authoritative reference and input builder live on the scoring server;
editing this copy changes nothing except your own understanding.
"""

import jax, jax.numpy as jnp
import numpy as np

VOCAB = 1000000
EMBED_DIM = 64
IMG_DIM = 128
B = 4096
L = 50

def setup_inputs(seed: int = 0) -> dict:
    key = jax.random.key(seed)
    k1, k2, k3, k4, k5, k6 = jax.random.split(key, 6)
    text_input_sequence = jax.random.randint(k1, (B, L), 0, VOCAB, dtype=jnp.int64 if jax.config.jax_enable_x64 else jnp.int32)
    image_input_sequence = jax.random.normal(k2, (B, L, IMG_DIM), dtype=jnp.float32)
    image_sequence_mask = jax.random.randint(k3, (B, L), 0, 2, dtype=jnp.int32)
    table = jax.random.normal(k4, (VOCAB, EMBED_DIM), dtype=jnp.float32)
    W = jax.random.normal(k5, (IMG_DIM, EMBED_DIM), dtype=jnp.float32) * (1.0 / np.sqrt(IMG_DIM))
    b = jax.random.normal(k6, (EMBED_DIM,), dtype=jnp.float32) * 0.01
    return {
        'text_input_sequence': text_input_sequence,
        'image_input_sequence': image_input_sequence,
        'image_sequence_mask': image_sequence_mask,
        'table': table,
        'W': W,
        'b': b,
    }

def reference(text_input_sequence, image_input_sequence, image_sequence_mask, table, W, b):
    # embedding lookup (gather)
    embs = jnp.take(table, text_input_sequence, axis=0)  # [B, L, D]
    # image projection (nn.Linear)
    embedded_img = jnp.einsum('bli,id->bld', image_input_sequence, W) + b  # [B, L, D]
    # compound modalities: ~mask * text + mask * image
    mask = image_sequence_mask.astype(jnp.float32)[..., None]  # [B, L, 1]
    antimask = 1.0 - mask
    out = antimask * embs + mask * embedded_img
    return out

if __name__ == "__main__":
    import jax
    _d = setup_inputs()
    print(jax.jit(kernel)(*tuple(_d.values())))

</pallas_src>

<mosaic_0001>
#map = affine_map<(d0, d1) -> (0, 0)>
module attributes {stable_mosaic.version = 14 : i64} {
  func.func @_sc_gather(%arg0: i32, %arg1: i32, %arg2: memref<32x6400xi32, #tpu.memory_space<hbm>>, %arg3: memref<500000x128xf32, #tpu.memory_space<hbm>>, %arg4: memref<204800x128xf32, #tpu.memory_space<hbm>>, %arg5: memref<6400xi32, #tpu.memory_space<vmem>>, %arg6: memref<640x128xf32, #tpu.memory_space<vmem>>, %arg7: memref<!tpu.dma_semaphore, #tpu.memory_space<semaphore_mem>>) attributes {dimension_semantics = [#tpu.dimension_semantics<core_parallel>, #tpu.dimension_semantics<subcore_parallel>], iteration_bounds = array<i64: 2, 16>, scalar_prefetch = 0 : i64, scratch_operands = 3 : i64, tpu.core_type = #tpu.core_type<sc_vector_subcore>, window_params = [{transform_indices = #map}, {transform_indices = #map}, {transform_indices = #map}]} {
    %mul3A = arith.constant 2 : i32
    %mul3A_0 = arith.muli %arg1, %mul3A : i32
    %add3A = arith.addi %mul3A_0, %arg0 : i32
    "tpu.region"() ({
      %run_scoped3A = tpu.sem_alloc : memref<!tpu.dma_semaphore, #tpu.memory_space<semaphore_mem>>
      %dma_start3A = arith.constant 0 : i32
      %dma_start3A_6 = tpu.memref_slice %arg2[%add3A, %dma_start3A] : memref<32x6400xi32, #tpu.memory_space<hbm>> -> memref<1x6400xi32, #tpu.memory_space<hbm>>
      %dma_start3A_7 = tpu.memref_squeeze %dma_start3A_6 : memref<1x6400xi32, #tpu.memory_space<hbm>> -> memref<6400xi32, #tpu.memory_space<hbm>>
      %dma_start3A_8 = arith.constant 0 : i32
      %dma_start3A_9 = tpu.memref_slice %arg2[%add3A, %dma_start3A_8] : memref<32x6400xi32, #tpu.memory_space<hbm>> -> memref<1x6400xi32, #tpu.memory_space<hbm>>
      %dma_start3A_10 = tpu.memref_squeeze %dma_start3A_9 : memref<1x6400xi32, #tpu.memory_space<hbm>> -> memref<6400xi32, #tpu.memory_space<hbm>>
      tpu.enqueue_dma source(%dma_start3A_10 : memref<6400xi32, #tpu.memory_space<hbm>>) target(%arg5 : memref<6400xi32, #tpu.memory_space<vmem>>) target_semaphore(%run_scoped3A : memref<!tpu.dma_semaphore, #tpu.memory_space<semaphore_mem>>)
      %dma_wait3A = arith.constant 0 : i32
      %dma_wait3A_11 = tpu.memref_slice %arg2[%add3A, %dma_wait3A] : memref<32x6400xi32, #tpu.memory_space<hbm>> -> memref<1x6400xi32, #tpu.memory_space<hbm>>
      %dma_wait3A_12 = tpu.memref_squeeze %dma_wait3A_11 : memref<1x6400xi32, #tpu.memory_space<hbm>> -> memref<6400xi32, #tpu.memory_space<hbm>>
      %dma_wait3A_13 = arith.constant 0 : i32
      %dma_wait3A_14 = tpu.memref_slice %arg2[%add3A, %dma_wait3A_13] : memref<32x6400xi32, #tpu.memory_space<hbm>> -> memref<1x6400xi32, #tpu.memory_space<hbm>>
      %dma_wait3A_15 = tpu.memref_squeeze %dma_wait3A_14 : memref<1x6400xi32, #tpu.memory_space<hbm>> -> memref<6400xi32, #tpu.memory_space<hbm>>
      tpu.wait_dma2 semaphore(%run_scoped3A : memref<!tpu.dma_semaphore, #tpu.memory_space<semaphore_mem>>) src(%dma_wait3A_15 : memref<6400xi32, #tpu.memory_space<hbm>>) dst(%arg5 : memref<6400xi32, #tpu.memory_space<vmem>>)
      tpu.yield
    }) : () -> ()
    %scan3A = arith.constant 0 : i32
    %scan3A_1 = arith.constant 0 : i32
    %scan3A_2 = arith.constant 10 : i32
    %scan3A_3 = arith.addi %scan3A_1, %scan3A_2 : i32
    %scan3A_4 = arith.constant 1 : i32
    scf.for %scan3A_6 = %scan3A_1 to %scan3A_3 step %scan3A_4  : i32 {
      %mul3A_7 = arith.constant 640 : i32
      %mul3A_8 = arith.muli %scan3A_6, %mul3A_7 : i32
      %add3A_9 = arith.constant 0 : i32
      %add3A_10 = arith.addi %mul3A_8, %add3A_9 : i32
      %dma_start3A = arith.constant 0 : i32
      %dma_start3A_11 = arith.constant 0 : i32
      %dma_start3A_12 = tpu.memref_slice %arg6[%dma_start3A, %dma_start3A_11] : memref<640x128xf32, #tpu.memory_space<vmem>> -> memref<128x128xf32, #tpu.memory_space<vmem>>
      %dma_start3A_13 = tpu.memref_slice %arg5[%add3A_10] : memref<6400xi32, #tpu.memory_space<vmem>> -> memref<128xi32, #tpu.memory_space<vmem>>
      %dma_start3A_14 = arith.constant 0 : i32
      %dma_start3A_15 = arith.constant 0 : i32
      %dma_start3A_16 = tpu.memref_slice %arg3[%dma_start3A_14, %dma_start3A_15] : memref<500000x128xf32, #tpu.memory_space<hbm>> -> memref<500000x128xf32, #tpu.memory_space<hbm>>
      tpu.enqueue_indirect_dma source(%dma_start3A_16 : memref<500000x128xf32, #tpu.memory_space<hbm>>) target(%dma_start3A_12 : memref<128x128xf32, #tpu.memory_space<vmem>>) offsets(%dma_start3A_13 : memref<128xi32, #tpu.memory_space<vmem>>) semaphore(%arg7 : memref<!tpu.dma_semaphore, #tpu.memory_space<semaphore_mem>>)
      %mul3A_17 = arith.constant 640 : i32
      %mul3A_18 = arith.muli %scan3A_6, %mul3A_17 : i32
      %add3A_19 = arith.constant 128 : i32
      %add3A_20 = arith.addi %mul3A_18, %add3A_19 : i32
      %dma_start3A_21 = arith.constant 128 : i32
      %dma_start3A_22 = arith.constant 0 : i32
      %dma_start3A_23 = tpu.memref_slice %arg6[%dma_start3A_21, %dma_start3A_22] : memref<640x128xf32, #tpu.memory_space<vmem>> -> memref<128x128xf32, #tpu.memory_space<vmem>>
      %dma_start3A_24 = tpu.memref_slice %arg5[%add3A_20] : memref<6400xi32, #tpu.memory_space<vmem>> -> memref<128xi32, #tpu.memory_space<vmem>>
      %dma_start3A_25 = arith.constant 0 : i32
      %dma_start3A_26 = arith.constant 0 : i32
      %dma_start3A_27 = tpu.memref_slice %arg3[%dma_start3A_25, %dma_start3A_26] : memref<500000x128xf32, #tpu.memory_space<hbm>> -> memref<500000x128xf32, #tpu.memory_space<hbm>>
      tpu.enqueue_indirect_dma source(%dma_start3A_27 : memref<500000x128xf32, #tpu.memory_space<hbm>>) target(%dma_start3A_23 : memref<128x128xf32, #tpu.memory_space<vmem>>) offsets(%dma_start3A_24 : memref<128xi32, #tpu.memory_space<vmem>>) semaphore(%arg7 : memref<!tpu.dma_semaphore, #tpu.memory_space<semaphore_mem>>)
      %mul3A_28 = arith.constant 640 : i32
      %mul3A_29 = arith.muli %scan3A_6, %mul3A_28 : i32
      %add3A_30 = arith.constant 256 : i32
      %add3A_31 = arith.addi %mul3A_29, %add3A_30 : i32
      %dma_start3A_32 = arith.constant 256 : i32
      %dma_start3A_33 = arith.constant 0 : i32
      %dma_start3A_34 = tpu.memref_slice %arg6[%dma_start3A_32, %dma_start3A_33] : memref<640x128xf32, #tpu.memory_space<vmem>> -> memref<128x128xf32, #tpu.memory_space<vmem>>
      %dma_start3A_35 = tpu.memref_slice %arg5[%add3A_31] : memref<6400xi32, #tpu.memory_space<vmem>> -> memref<128xi32, #tpu.memory_space<vmem>>
      %dma_start3A_36 = arith.constant 0 : i32
      %dma_start3A_37 = arith.constant 0 : i32
      %dma_start3A_38 = tpu.memref_slice %arg3[%dma_start3A_36, %dma_start3A_37] : memref<500000x128xf32, #tpu.memory_space<hbm>> -> memref<500000x128xf32, #tpu.memory_space<hbm>>
      tpu.enqueue_indirect_dma source(%dma_start3A_38 : memref<500000x128xf32, #tpu.memory_space<hbm>>) target(%dma_start3A_34 : memref<128x128xf32, #tpu.memory_space<vmem>>) offsets(%dma_start3A_35 : memref<128xi32, #tpu.memory_space<vmem>>) semaphore(%arg7 : memref<!tpu.dma_semaphore, #tpu.memory_space<semaphore_mem>>)
      %mul3A_39 = arith.constant 640 : i32
      %mul3A_40 = arith.muli %scan3A_6, %mul3A_39 : i32
      %add3A_41 = arith.constant 384 : i32
      %add3A_42 = arith.addi %mul3A_40, %add3A_41 : i32
      %dma_start3A_43 = arith.constant 384 : i32
      %dma_start3A_44 = arith.constant 0 : i32
      %dma_start3A_45 = tpu.memref_slice %arg6[%dma_start3A_43, %dma_start3A_44] : memref<640x128xf32, #tpu.memory_space<vmem>> -> memref<128x128xf32, #tpu.memory_space<vmem>>
      %dma_start3A_46 = tpu.memref_slice %arg5[%add3A_42] : memref<6400xi32, #tpu.memory_space<vmem>> -> memref<128xi32, #tpu.memory_space<vmem>>
      %dma_start3A_47 = arith.constant 0 : i32
      %dma_start3A_48 = arith.constant 0 : i32
      %dma_start3A_49 = tpu.memref_slice %arg3[%dma_start3A_47, %dma_start3A_48] : memref<500000x128xf32, #tpu.memory_space<hbm>> -> memref<500000x128xf32, #tpu.memory_space<hbm>>
      tpu.enqueue_indirect_dma source(%dma_start3A_49 : memref<500000x128xf32, #tpu.memory_space<hbm>>) target(%dma_start3A_45 : memref<128x128xf32, #tpu.memory_space<vmem>>) offsets(%dma_start3A_46 : memref<128xi32, #tpu.memory_space<vmem>>) semaphore(%arg7 : memref<!tpu.dma_semaphore, #tpu.memory_space<semaphore_mem>>)
      %mul3A_50 = arith.constant 640 : i32
      %mul3A_51 = arith.muli %scan3A_6, %mul3A_50 : i32
      %add3A_52 = arith.constant 512 : i32
      %add3A_53 = arith.addi %mul3A_51, %add3A_52 : i32
      %dma_start3A_54 = arith.constant 512 : i32
      %dma_start3A_55 = arith.constant 0 : i32
      %dma_start3A_56 = tpu.memref_slice %arg6[%dma_start3A_54, %dma_start3A_55] : memref<640x128xf32, #tpu.memory_space<vmem>> -> memref<128x128xf32, #tpu.memory_space<vmem>>
      %dma_start3A_57 = tpu.memref_slice %arg5[%add3A_53] : memref<6400xi32, #tpu.memory_space<vmem>> -> memref<128xi32, #tpu.memory_space<vmem>>
      %dma_start3A_58 = arith.constant 0 : i32
      %dma_start3A_59 = arith.constant 0 : i32
      %dma_start3A_60 = tpu.memref_slice %arg3[%dma_start3A_58, %dma_start3A_59] : memref<500000x128xf32, #tpu.memory_space<hbm>> -> memref<500000x128xf32, #tpu.memory_space<hbm>>
      tpu.enqueue_indirect_dma source(%dma_start3A_60 : memref<500000x128xf32, #tpu.memory_space<hbm>>) target(%dma_start3A_56 : memref<128x128xf32, #tpu.memory_space<vmem>>) offsets(%dma_start3A_57 : memref<128xi32, #tpu.memory_space<vmem>>) semaphore(%arg7 : memref<!tpu.dma_semaphore, #tpu.memory_space<semaphore_mem>>)
      %dma_wait3A = arith.constant 0 : i32
      %dma_wait3A_61 = arith.constant 0 : i32
      %dma_wait3A_62 = tpu.memref_slice %arg6[%dma_wait3A, %dma_wait3A_61] : memref<640x128xf32, #tpu.memory_space<vmem>> -> memref<128x128xf32, #tpu.memory_space<vmem>>
      %dma_wait3A_63 = tpu.memref_slice %arg5[%add3A_10] : memref<6400xi32, #tpu.memory_space<vmem>> -> memref<128xi32, #tpu.memory_space<vmem>>
      %dma_wait3A_64 = arith.constant 0 : i32
      %dma_wait3A_65 = arith.constant 0 : i32
      %dma_wait3A_66 = tpu.memref_slice %arg3[%dma_wait3A_64, %dma_wait3A_65] : memref<500000x128xf32, #tpu.memory_space<hbm>> -> memref<500000x128xf32, #tpu.memory_space<hbm>>
      tpu.wait_indirect_dma semaphore(%arg7 : memref<!tpu.dma_semaphore, #tpu.memory_space<semaphore_mem>>) src(%dma_wait3A_66 : memref<500000x128xf32, #tpu.memory_space<hbm>>) dst(%dma_wait3A_62 : memref<128x128xf32, #tpu.memory_space<vmem>>)
      %dma_wait3A_67 = arith.constant 128 : i32
      %dma_wait3A_68 = arith.constant 0 : i32
      %dma_wait3A_69 = tpu.memref_slice %arg6[%dma_wait3A_67, %dma_wait3A_68] : memref<640x128xf32, #tpu.memory_space<vmem>> -> memref<128x128xf32, #tpu.memory_space<vmem>>
      %dma_wait3A_70 = tpu.memref_slice %arg5[%add3A_20] : memref<6400xi32, #tpu.memory_space<vmem>> -> memref<128xi32, #tpu.memory_space<vmem>>
      %dma_wait3A_71 = arith.constant 0 : i32
      %dma_wait3A_72 = arith.constant 0 : i32
      %dma_wait3A_73 = tpu.memref_slice %arg3[%dma_wait3A_71, %dma_wait3A_72] : memref<500000x128xf32, #tpu.memory_space<hbm>> -> memref<500000x128xf32, #tpu.memory_space<hbm>>
      tpu.wait_indirect_dma semaphore(%arg7 : memref<!tpu.dma_semaphore, #tpu.memory_space<semaphore_mem>>) src(%dma_wait3A_73 : memref<500000x128xf32, #tpu.memory_space<hbm>>) dst(%dma_wait3A_69 : memref<128x128xf32, #tpu.memory_space<vmem>>)
      %dma_wait3A_74 = arith.constant 256 : i32
      %dma_wait3A_75 = arith.constant 0 : i32
      %dma_wait3A_76 = tpu.memref_slice %arg6[%dma_wait3A_74, %dma_wait3A_75] : memref<640x128xf32, #tpu.memory_space<vmem>> -> memref<128x128xf32, #tpu.memory_space<vmem>>
      %dma_wait3A_77 = tpu.memref_slice %arg5[%add3A_31] : memref<6400xi32, #tpu.memory_space<vmem>> -> memref<128xi32, #tpu.memory_space<vmem>>
      %dma_wait3A_78 = arith.constant 0 : i32
      %dma_wait3A_79 = arith.constant 0 : i32
      %dma_wait3A_80 = tpu.memref_slice %arg3[%dma_wait3A_78, %dma_wait3A_79] : memref<500000x128xf32, #tpu.memory_space<hbm>> -> memref<500000x128xf32, #tpu.memory_space<hbm>>
      tpu.wait_indirect_dma semaphore(%arg7 : memref<!tpu.dma_semaphore, #tpu.memory_space<semaphore_mem>>) src(%dma_wait3A_80 : memref<500000x128xf32, #tpu.memory_space<hbm>>) dst(%dma_wait3A_76 : memref<128x128xf32, #tpu.memory_space<vmem>>)
      %dma_wait3A_81 = arith.constant 384 : i32
      %dma_wait3A_82 = arith.constant 0 : i32
      %dma_wait3A_83 = tpu.memref_slice %arg6[%dma_wait3A_81, %dma_wait3A_82] : memref<640x128xf32, #tpu.memory_space<vmem>> -> memref<128x128xf32, #tpu.memory_space<vmem>>
      %dma_wait3A_84 = tpu.memref_slice %arg5[%add3A_42] : memref<6400xi32, #tpu.memory_space<vmem>> -> memref<128xi32, #tpu.memory_space<vmem>>
      %dma_wait3A_85 = arith.constant 0 : i32
      %dma_wait3A_86 = arith.constant 0 : i32
      %dma_wait3A_87 = tpu.memref_slice %arg3[%dma_wait3A_85, %dma_wait3A_86] : memref<500000x128xf32, #tpu.memory_space<hbm>> -> memref<500000x128xf32, #tpu.memory_space<hbm>>
      tpu.wait_indirect_dma semaphore(%arg7 : memref<!tpu.dma_semaphore, #tpu.memory_space<semaphore_mem>>) src(%dma_wait3A_87 : memref<500000x128xf32, #tpu.memory_space<hbm>>) dst(%dma_wait3A_83 : memref<128x128xf32, #tpu.memory_space<vmem>>)
      %dma_wait3A_88 = arith.constant 512 : i32
      %dma_wait3A_89 = arith.constant 0 : i32
      %dma_wait3A_90 = tpu.memref_slice %arg6[%dma_wait3A_88, %dma_wait3A_89] : memref<640x128xf32, #tpu.memory_space<vmem>> -> memref<128x128xf32, #tpu.memory_space<vmem>>
      %dma_wait3A_91 = tpu.memref_slice %arg5[%add3A_53] : memref<6400xi32, #tpu.memory_space<vmem>> -> memref<128xi32, #tpu.memory_space<vmem>>
      %dma_wait3A_92 = arith.constant 0 : i32
      %dma_wait3A_93 = arith.constant 0 : i32
      %dma_wait3A_94 = tpu.memref_slice %arg3[%dma_wait3A_92, %dma_wait3A_93] : memref<500000x128xf32, #tpu.memory_space<hbm>> -> memref<500000x128xf32, #tpu.memory_space<hbm>>
      tpu.wait_indirect_dma semaphore(%arg7 : memref<!tpu.dma_semaphore, #tpu.memory_space<semaphore_mem>>) src(%dma_wait3A_94 : memref<500000x128xf32, #tpu.memory_space<hbm>>) dst(%dma_wait3A_90 : memref<128x128xf32, #tpu.memory_space<vmem>>)
      %mul3A_95 = arith.constant 6400 : i32
      %mul3A_96 = arith.muli %add3A, %mul3A_95 : i32
      %mul3A_97 = arith.constant 640 : i32
      %mul3A_98 = arith.muli %scan3A_6, %mul3A_97 : i32
      %add3A_99 = arith.addi %mul3A_96, %mul3A_98 : i32
      "tpu.region"() ({
        %run_scoped3A = tpu.sem_alloc : memref<!tpu.dma_semaphore, #tpu.memory_space<semaphore_mem>>
        %dma_start3A_100 = arith.constant 0 : i32
        %dma_start3A_101 = tpu.memref_slice %arg4[%add3A_99, %dma_start3A_100] : memref<204800x128xf32, #tpu.memory_space<hbm>> -> memref<640x128xf32, #tpu.memory_space<hbm>>
        %dma_start3A_102 = arith.constant 0 : i32
        %dma_start3A_103 = tpu.memref_slice %arg4[%add3A_99, %dma_start3A_102] : memref<204800x128xf32, #tpu.memory_space<hbm>> -> memref<640x128xf32, #tpu.memory_space<hbm>>
        tpu.enqueue_dma source(%arg6 : memref<640x128xf32, #tpu.memory_space<vmem>>) target(%dma_start3A_103 : memref<640x128xf32, #tpu.memory_space<hbm>>) target_semaphore(%run_scoped3A : memref<!tpu.dma_semaphore, #tpu.memory_space<semaphore_mem>>)
        %dma_wait3A_104 = arith.constant 0 : i32
        %dma_wait3A_105 = tpu.memref_slice %arg4[%add3A_99, %dma_wait3A_104] : memref<204800x128xf32, #tpu.memory_space<hbm>> -> memref<640x128xf32, #tpu.memory_space<hbm>>
        %dma_wait3A_106 = arith.constant 0 : i32
        %dma_wait3A_107 = tpu.memref_slice %arg4[%add3A_99, %dma_wait3A_106] : memref<204800x128xf32, #tpu.memory_space<hbm>> -> memref<640x128xf32, #tpu.memory_space<hbm>>
        tpu.wait_dma2 semaphore(%run_scoped3A : memref<!tpu.dma_semaphore, #tpu.memory_space<semaphore_mem>>) src(%arg6 : memref<640x128xf32, #tpu.memory_space<vmem>>) dst(%dma_wait3A_107 : memref<640x128xf32, #tpu.memory_space<hbm>>)
        tpu.yield
      }) : () -> ()
    }
    %scan3A_5 = arith.constant 10 : i32
    return
  }
}

module attributes {stable_mosaic.version = 14 : i64} {
  func.func @_tc_blend_body(%arg0: i32, %arg1: i32, %arg2: memref<1x1024x128xf32, #tpu.memory_space<vmem>>, %arg3: memref<1x1024x128xf32, #tpu.memory_space<vmem>>, %arg4: memref<1x1x1024xi32, #tpu.memory_space<vmem>>, %arg5: memref<1x1x1024xi32, #tpu.memory_space<vmem>>, %arg6: memref<128x64xf32, #tpu.memory_space<vmem>>, %arg7: memref<1x64x1xf32, #tpu.memory_space<vmem>>, %arg8: memref<1x64x1024xf32, #tpu.memory_space<vmem>>) attributes {dimension_semantics = [#tpu.dimension_semantics<arbitrary>, #tpu.dimension_semantics<arbitrary>], iteration_bounds = array<i64: 50, 4>, scalar_prefetch = 0 : i64, scratch_operands = 0 : i64, tpu.core_type = #tpu.core_type<tc>, window_params = [{transform_indices = @transform_0, window_bounds = array<i64: 1, 1024, 128>}, {transform_indices = @transform_1, window_bounds = array<i64: 1, 1024, 128>}, {transform_indices = @transform_2, window_bounds = array<i64: 1, 1, 1024>}, {transform_indices = @transform_3, window_bounds = array<i64: 1, 1, 1024>}, {pipeline_mode = #tpu.pipeline_mode<synchronous>, transform_indices = @transform_4, window_bounds = array<i64: 128, 64>}, {pipeline_mode = #tpu.pipeline_mode<synchronous>, transform_indices = @transform_5, window_bounds = array<i64: 1, 64, 1>}, {transform_indices = @transform_6, window_bounds = array<i64: 1, 64, 1024>}]} {
    %get3A = arith.constant 0 : index
    %get3A_0 = arith.constant 0 : index
    %get3A_1 = arith.constant 0 : index
    %get3A_2 = vector.load %arg2[%get3A, %get3A_0, %get3A_1] : memref<1x1024x128xf32, #tpu.memory_space<vmem>>, vector<1x1024x128xf32>
    %get3A_3 = vector.shape_cast %get3A_2 : vector<1x1024x128xf32> to vector<1024x128xf32>
    %get3A_4 = arith.constant 0 : index
    %get3A_5 = arith.constant 0 : index
    %get3A_6 = vector.load %arg6[%get3A_4, %get3A_5] : memref<128x64xf32, #tpu.memory_space<vmem>>, vector<128x64xf32>
    %dot_general3A = arith.constant dense<0.000000e+00> : vector<64x1024xf32>
    %dot_general3A_7 = tpu.matmul %get3A_6, %get3A_3, %dot_general3A {dimension_numbers = #tpu.dot_dimension_numbers<[0], [1], [1], [0], [0, 1, 1, 0], [], []>, transpose_lhs_hint = false} : vector<128x64xf32>, vector<1024x128xf32>, vector<64x1024xf32> -> vector<64x1024xf32>
    %get3A_8 = arith.constant 0 : index
    %get3A_9 = arith.constant 0 : index
    %get3A_10 = arith.constant 0 : index
    %get3A_11 = vector.load %arg7[%get3A_8, %get3A_9, %get3A_10] : memref<1x64x1xf32, #tpu.memory_space<vmem>>, vector<1x64x1xf32>
    %get3A_12 = vector.shape_cast %get3A_11 : vector<1x64x1xf32> to vector<64x1xf32>
    %add3A = vector.broadcast %get3A_12 : vector<64x1xf32> to vector<64x1024xf32>
    %add3A_13 = arith.addf %dot_general3A_7, %add3A : vector<64x1024xf32>
    %get3A_14 = arith.constant 0 : index
    %get3A_15 = arith.constant 0 : index
    %get3A_16 = arith.constant 0 : index
    %get3A_17 = vector.load %arg3[%get3A_14, %get3A_15, %get3A_16] : memref<1x1024x128xf32, #tpu.memory_space<vmem>>, vector<1x1024x128xf32>
    %get3A_18 = vector.shape_cast %get3A_17 : vector<1x1024x128xf32> to vector<1024x128xf32>
    %transpose3A = tpu.transpose %get3A_18, [1, 0] : vector<1024x128xf32> -> vector<128x1024xf32>
    %slice3A = vector.extract_strided_slice %transpose3A {offsets = [0, 0], sizes = [64, 1024], strides = [1, 1]} : vector<128x1024xf32> to vector<64x1024xf32>
    %slice3A_19 = vector.extract_strided_slice %transpose3A {offsets = [64, 0], sizes = [64, 1024], strides = [1, 1]} : vector<128x1024xf32> to vector<64x1024xf32>
    %get3A_20 = arith.constant 0 : index
    %get3A_21 = arith.constant 0 : index
    %get3A_22 = arith.constant 0 : index
    %get3A_23 = vector.load %arg5[%get3A_20, %get3A_21, %get3A_22] : memref<1x1x1024xi32, #tpu.memory_space<vmem>>, vector<1x1x1024xi32>
    %get3A_24 = vector.shape_cast %get3A_23 : vector<1x1x1024xi32> to vector<1x1024xi32>
    %convert_element_type3A = arith.sitofp %get3A_24 : vector<1x1024xi32> to vector<1x1024xf32>
    %get3A_25 = arith.constant 0 : index
    %get3A_26 = arith.constant 0 : index
    %get3A_27 = arith.constant 0 : index
    %get3A_28 = vector.load %arg4[%get3A_25, %get3A_26, %get3A_27] : memref<1x1x1024xi32, #tpu.memory_space<vmem>>, vector<1x1x1024xi32>
    %get3A_29 = vector.shape_cast %get3A_28 : vector<1x1x1024xi32> to vector<1x1024xi32>
    %convert_element_type3A_30 = arith.sitofp %get3A_29 : vector<1x1024xi32> to vector<1x1024xf32>
    %sub3A = arith.subf %slice3A_19, %slice3A : vector<64x1024xf32>
    %mul3A = vector.broadcast %convert_element_type3A : vector<1x1024xf32> to vector<64x1024xf32>
    %mul3A_31 = arith.mulf %mul3A, %sub3A : vector<64x1024xf32>
    %add3A_32 = arith.addf %slice3A, %mul3A_31 : vector<64x1024xf32>
    %sub3A_33 = arith.subf %add3A_13, %add3A_32 : vector<64x1024xf32>
    %mul3A_34 = vector.broadcast %convert_element_type3A_30 : vector<1x1024xf32> to vector<64x1024xf32>
    %mul3A_35 = arith.mulf %mul3A_34, %sub3A_33 : vector<64x1024xf32>
    %add3A_36 = arith.addf %add3A_32, %mul3A_35 : vector<64x1024xf32>
    %swap3A = arith.constant 0 : index
    %swap3A_37 = arith.constant 0 : index
    %swap3A_38 = arith.constant 0 : index
    %swap3A_39 = vector.load %arg8[%swap3A, %swap3A_37, %swap3A_38] : memref<1x64x1024xf32, #tpu.memory_space<vmem>>, vector<1x64x1024xf32>
    %swap3A_40 = vector.shape_cast %swap3A_39 : vector<1x64x1024xf32> to vector<64x1024xf32>
    %swap3A_41 = vector.shape_cast %add3A_36 : vector<64x1024xf32> to vector<1x64x1024xf32>
    tpu.vector_store %arg8[%swap3A, %swap3A_37, %swap3A_38], %swap3A_41 {strides = array<i32>} : memref<1x64x1024xf32, #tpu.memory_space<vmem>>, vector<1x64x1024xf32>,
    return
  }
  func.func @transform_0(%arg0: i32, %arg1: i32) -> (i32, i32, i32) {
    %c0_i32 = arith.constant 0 : i32
    %c0_i32_0 = arith.constant 0 : i32
    return %arg0, %arg1, %c0_i32 : i32, i32, i32
  }
  func.func @transform_1(%arg0: i32, %arg1: i32) -> (i32, i32, i32) {
    %c0_i32 = arith.constant 0 : i32
    %c0_i32_0 = arith.constant 0 : i32
    return %arg0, %arg1, %c0_i32 : i32, i32, i32
  }
  func.func @transform_2(%arg0: i32, %arg1: i32) -> (i32, i32, i32) {
    %c0_i32 = arith.constant 0 : i32
    %c0_i32_0 = arith.constant 0 : i32
    return %arg0, %c0_i32, %arg1 : i32, i32, i32
  }
  func.func @transform_3(%arg0: i32, %arg1: i32) -> (i32, i32, i32) {
    %c0_i32 = arith.constant 0 : i32
    %c0_i32_0 = arith.constant 0 : i32
    return %arg0, %c0_i32, %arg1 : i32, i32, i32
  }
  func.func @transform_4(%arg0: i32, %arg1: i32) -> (i32, i32) {
    %c0_i32 = arith.constant 0 : i32
    %c0_i32_0 = arith.constant 0 : i32
    %c0_i32_1 = arith.constant 0 : i32
    return %c0_i32, %c0_i32_0 : i32, i32
  }
  func.func @transform_5(%arg0: i32, %arg1: i32) -> (i32, i32, i32) {
    %c0_i32 = arith.constant 0 : i32
    %c0_i32_0 = arith.constant 0 : i32
    %c0_i32_1 = arith.constant 0 : i32
    %c0_i32_2 = arith.constant 0 : i32
    return %c0_i32, %c0_i32_0, %c0_i32_1 : i32, i32, i32
  }
  func.func @transform_6(%arg0: i32, %arg1: i32) -> (i32, i32, i32) {
    %c0_i32 = arith.constant 0 : i32
    %c0_i32_0 = arith.constant 0 : i32
    return %arg0, %c0_i32, %arg1 : i32, i32, i32
  }
}

</mosaic_0001>

<sc_bundles>
// kernel: kernel.4.cloned.1.call-start
scs
__scs_entry_jumppad:
0x0: {  	(pc) =	sbr.rel $0x88, $3  }
0x1: {  	(tag) =	ssettag $0x0;
	lr =	simm.s32 $0x1  }
0x2: {  	[smem:$0x3F9B] =	sst lr;
	_ =	strace $0xD0000000  }
0x3: {  	_ = 	snop  }
0x4: {  	_ = 	snop  }
0x5: {  	_ = 	snop  }
0x6: {  	_ = 	snop  }
0x7: {  	_ = 	snop  }
__scs_overlays_trampoline_lowered:
0x8: {  	[smem:$0x3FAA] =	sst s0  }
0x9: {  	[smem:$0x3FAB] =	sst s1  }
0xa: {  	[smem:$0x3FAC] =	sst s2  }
0xb: {  	[smem:$0x3FAD] =	sst s3  }
0xc: {  	[smem:$0x3FAE] =	sst s4  }
0xd: {  	[smem:$0x3FAF] =	sst s5  }
0xe: {  	[smem:$0x3FB0] =	sst s6  }
0xf: {  	[smem:$0x3FB1] =	sst s7  }
0x10: {  	[smem:$0x3FB2] =	sst s8  }
0x11: {  	[smem:$0x3FB3] =	sst s9;
	s0 =	simm.s32 @!p0 $0x0  }
0x12: {  	s1 =	sld [smem:$0x3F99];
	s0 =	simm.s32 @p0 $0x1  }
0x13: {  	[smem:$0x3FB4] =	sst s0;
	s0 =	simm.s32 @!p1 $0x0  }
0x14: {  	s2 =	sld [smem:$0x3F98];
	s0 =	simm.s32 @p1 $0x1  }
0x15: {  	[smem:$0x3FB5] =	sst s0;
	s0 =	simm.s32 @!p2 $0x0  }
0x16: {  	s3 =	sld [smem:$0x3FDB];
	s0 =	simm.s32 @p2 $0x1  }
0x17: {  	s4 =	simm.s32 $0x1BF5;
	[smem:$0x3FB7] =	sst s0  }
0x18: {  	s0 =	sld [smem:$0x3F9A];
	_ =	swait.ge [sflag:s4], $0x0  }
0x19: {  	s7 =	sld [smem:$0x3F9B]  }
0x1a: {  	s8 =	sadd.s32 $0xFFFFE003, lr  }
0x1b: {  	s9 =	sadd.s32 $0xFFFFFEF7, lr;
	s5 =	simm.s32 $0xFFFFFFFF;
	p2 =	slt.u32 s8, $0xFFFFF086  }
0x1c: {  	p1 =	slt.u32 s9, $0xF7A;
	s5 =	simm.s32 @!p2 $0x0  }
0x1d: {  	s5 =	simm.s32 @p1 $0x1;
	p0 =	seq.s32 s7, s2  }
0x1e: {  	s7 =	smul.u32 @!p0 $0xF7A, s2;
	p2 =	seq.s32 @!p0 s5, $0x0  }
0x1f: {  	s9 =	smul.u32 $0xF7A, s1;
	s8 =	simm.s32 @!p0 $0x1BF5;
	p2 =	por !p2, p0  }
0x20: {  	[sflag:s8] =	ssyncset.s32 @!p0 $0xFFFFF086;
	s6 =	sadd.s32 @!p0 s3, s7;
	s7 =	simm.s32 @!p0 $0x108  }
0x21: {  	s3 =	sadd.s32 s3, s9;
	s6 =	sadd.s32 @!p0 $0x88, s6;
	s7 =	simm.s32 @p2 $0x1082  }
0x22: {  	[simem:s7], [sflag:s8] =	dma.local @!p0 [hbm:s6], $0xF7A  }
0x23: {  	s9 =	sor.u32 $0xD0000000, s2;
	s6 =	simm.s32 $0x108;
	_ =	swait.ge @!p0 [sflag:s8], $0x0  }
0x24: {  	s3 =	sadd.s32 $0x88, s3;
	s6 =	simm.s32 @!p1 $0x1082;
	[sflag:s4] =	ssyncset.s32 $0xFFFFF086  }
0x25: {  	[simem:s6], [sflag:s4] =	dma.local [hbm:s3], $0xF7A  }
0x26: {  	[smem:$0x3F9B] =	sst s1;
	(tag) =	ssettag s2;
	_ =	strace s9  }
0x27: {  	s1 =	sld [smem:$0x3FAB]  }
0x28: {  	s2 =	sld [smem:$0x3FAC]  }
0x29: {  	s4 =	sld [smem:$0x3FAE]  }
0x2a: {  	p0 =	seq.s32 s5, $0x0;
	s5 =	sld [smem:$0x3FAF]  }
0x2b: {  	s6 =	sld [smem:$0x3FB0]  }
0x2c: {  	s7 =	sld [smem:$0x3FB1]  }
0x2d: {  	s3 =	simm.s32 $0x108;
	s8 =	sld [smem:$0x3FB2]  }
0x2e: {  	s3 =	simm.s32 @!p0 $0x1082;
	s9 =	sld [smem:$0x3FB3]  }
0x2f: {  	lr =	sadd.s32 s0, s3;
	s0 =	sld [smem:$0x3FAA]  }
0x30: {  	s3 =	sld [smem:$0x3FAD]  }
0x31: {  	[smem:$0x3FB6] =	sst s10  }
0x32: {  	s10 =	sld [smem:$0x3FB4];
	_ =	sdelay $0x3  }
0x33: {  	p0 =	seq.s32 s10, $0x1;
	s10 =	sld [smem:$0x3FB6];
	_ =	sdelay $0x3  }
0x34: {  	[smem:$0x3FB6] =	sst s10  }
0x35: {  	s10 =	sld [smem:$0x3FB5];
	_ =	sdelay $0x3  }
0x36: {  	p1 =	seq.s32 s10, $0x1;
	s10 =	sld [smem:$0x3FB6];
	_ =	sdelay $0x3  }
0x37: {  	[smem:$0x3FB6] =	sst s10  }
0x38: {  	s10 =	sld [smem:$0x3FB7]  }
0x39: {  	_ = 	snop;
	(pc) =	sbr.ind lr, $3  }
0x3a: {  	_ = 	snop  }
0x3b: {  	_ = 	snop  }
0x3c: {  	p2 =	seq.s32 s10, $0x1;
	s10 =	sld [smem:$0x3FB6]  }
0x3d: {  	_ =	shalt  }
0x3e: {  	_ =	shalt  }
0x3f: {  	_ =	shalt  }
0x40: {  	_ =	shalt  }
0x41: {  	_ =	shalt  }
0x42: {  	_ =	shalt  }
0x43: {  	_ =	shalt  }
0x44: {  	_ =	shalt  }
0x45: {  	_ =	shalt  }
0x46: {  	_ =	shalt  }
0x47: {  	_ =	shalt  }
0x48: {  	_ =	shalt  }
0x49: {  	_ =	shalt  }
0x4a: {  	_ =	shalt  }
0x4b: {  	_ =	shalt  }
0x4c: {  	_ =	shalt  }
0x4d: {  	_ =	shalt  }
0x4e: {  	_ =	shalt  }
0x4f: {  	_ =	shalt  }
0x50: {  	_ =	shalt  }
0x51: {  	_ =	shalt  }
0x52: {  	_ =	shalt  }
0x53: {  	_ =	shalt  }
0x54: {  	_ =	shalt  }
0x55: {  	_ =	shalt  }
0x56: {  	_ =	shalt  }
0x57: {  	_ =	shalt  }
0x58: {  	_ =	shalt  }
0x59: {  	_ =	shalt  }
0x5a: {  	_ =	shalt  }
0x5b: {  	_ =	shalt  }
0x5c: {  	_ =	shalt  }
0x5d: {  	_ =	shalt  }
0x5e: {  	_ =	shalt  }
0x5f: {  	_ =	shalt  }
0x60: {  	_ =	shalt  }
0x61: {  	_ =	shalt  }
0x62: {  	_ =	shalt  }
0x63: {  	_ =	shalt  }
0x64: {  	_ =	shalt  }
0x65: {  	_ =	shalt  }
0x66: {  	_ =	shalt  }
0x67: {  	_ =	shalt  }
0x68: {  	_ =	shalt  }
0x69: {  	_ =	shalt  }
0x6a: {  	_ =	shalt  }
0x6b: {  	_ =	shalt  }
0x6c: {  	_ =	shalt  }
0x6d: {  	_ =	shalt  }
0x6e: {  	_ =	shalt  }
0x6f: {  	_ =	shalt  }
0x70: {  	_ =	shalt  }
0x71: {  	_ =	shalt  }
0x72: {  	_ =	shalt  }
0x73: {  	_ =	shalt  }
0x74: {  	_ =	shalt  }
0x75: {  	_ =	shalt  }
0x76: {  	_ =	shalt  }
0x77: {  	_ =	shalt  }
0x78: {  	_ =	shalt  }
0x79: {  	_ =	shalt  }
0x7a: {  	_ =	shalt  }
0x7b: {  	_ =	shalt  }
0x7c: {  	_ =	shalt  }
0x7d: {  	_ =	shalt  }
0x7e: {  	_ =	shalt  }
0x7f: {  	_ =	shalt  }
0x80: {  	_ =	shalt  }
0x81: {  	_ =	shalt  }
0x82: {  	_ =	shalt  }
0x83: {  	_ =	shalt  }
0x84: {  	_ =	shalt  }
0x85: {  	_ =	shalt  }
0x86: {  	_ =	shalt  }
0x87: {  	_ =	shalt  }
.Lfunc_end0:
.L_simem_size_0:
called_computation_lowered:
.L_overlay_start_0:
0x88: {  	s2 =	sld [smem:$0x3FD9]  }
0x89: {  	s3 =	sld [smem:$0x3FFE];
	_ =	sdelay $0x1  }
0x8a: {  	s1 =	srdreg.scid  }
0x8b: {  	s0 =	sand.u32 $0x1, s1  }
0x8c: {  	s16 =	sshll.u32 s0, $0xA;
	s2 =	sadd.s32 s3, s2  }
0x8d: {  	s2 =	sadd.s32 s2, s16  }
0x8e: {  	[smem:$0x3FC2] =	sst s2  }
0x8f: {  	_ = 	snop  }
0x90: {  	(tm) =	ssettm $0x1  }
0x91: {  	s17 =	sld [smem:$0x3FFB];
	_ =	sdelay $0x3  }
0x92: {  	_ =	strace s17  }
0x93: {  	s2 =	sld [smem:$0x3FFC];
	_ =	sdelay $0x3  }
0x94: {  	_ =	strace s2  }
0x95: {  	s2 =	sld [smem:$0x3FFD];
	_ =	sdelay $0x3  }
0x96: {  	_ =	strace s2  }
0x97: {  	_ =	strace $0x8FFFFFFF  }
0x98: {  	s18 =	sld [smem:$0x3FDB];
	_ =	sdelay $0x1  }
0x99: {  	s19 =	simm.s32 $_scs_section_size  }
0x9a: {  	s4 =	simm.s32 $_size__tile_overlayer_lowered;
	s5 =	simm.s32 $_tile_overlayer_lowered  }
0x9b: {  	s22 =	simm.s32 $0x1BFF;
	s21 =	sshll.u32 s5, $0x1;
	s2 =	sadd.s32 s19, s18  }
0x9c: {  	s6 =	simm.s32 $0x0;
	s20 =	sshll.u32 s4, $0x1;
	s4 =	sadd.s32 s21, s2  }
0x9d: {  	[timem:s6], [sflag:s22] =	dma.local [hbm:s4], s20  }
0x9e: {  	_ =	swait.ge [sflag:s22], s20  }
0x9f: {  	s3 =	ssub.s32 $0x0, s20;
	[sflag:s22] =	ssyncset.done $0x0  }
0xa0: {  	[sflag:s22] =	ssyncadd.s32 s3;
	_ =	sdelay $0x1  }
0xa1: {  	s23 =	simm.s32 $0x1B8B  }
0xa2: {  	_ =	swait.ge [sflag:s23], $0x1  }
0xa3: {  	[sflag:s23] =	ssyncset.done $0x0  }
0xa4: {  	s25 =	simm.s32 $0x1B8E;
	s24 =	sld [smem:$0x3FFE];
	[sflag:s23] =	ssyncadd.s32 $0xFFFFFFFF  }
0xa5: {  	s26 =	simm.s32 $execute0_lowered;
	[smem:$0x3FD2] =	sst s25  }
0xa6: {  	s4 =	sshll.u32 s26, $0x1;
	_ =	strace $0x80000046;
	[dreg:$0x1] =	wrdreg $0xFFFFFFFF  }
0xa7: {  	s28 =	simm.s32 $_size_execute0_lowered;
	s2 =	sadd.s32 s2, s4;
	[dreg:$0x0] =	wrdreg $0x0  }
0xa8: {  	s4 =	sshll.u32 s28, $0x1;
	[dreg:$0x2] =	wrdreg s2  }
0xa9: {  	[dreg:$0x3] =	wrdreg s4  }
0xaa: {  	[dreg:$0x4] =	wrdreg $0xC0  }
0xab: {  	_ =	task [dreg:s6], $0x5FFFF  }
0xac: {  	[dreg:$0x1] =	wrdreg $0xFFFFFFFF  }
0xad: {  	[dreg:$0x0] =	wrdreg $0x60  }
0xae: {  	[dreg:$0x2] =	wrdreg s24  }
0xaf: {  	[dreg:$0x3] =	wrdreg $0x9  }
0xb0: {  	_ =	task.clear_ibuf [dreg:s6], $0x4FFFF;
	_ =	strace $0x90000046  }
0xb1: {  	s29 =	simm.s32 $0x9;
	_ =	strace $0x80000048  }
0xb2: {  	_ =	swait.ge [sflag:s29], $0x1  }
0xb3: {  	[sflag:s29] =	ssyncadd.s32 $0xFFFFFFFF  }
0xb4: {  	_ =	strace $0x90000048  }
0xb5: {  	_ =	sfence  }
0xb6: {  	s30 =	sld [smem:$0x0];
	_ =	sdelay $0x2  }
0xb7: {  	s31 =	sshll.u32 s1, $0xD;
	s1 =	sshrl.u32 s1, $0x2  }
0xb8: {  	s3 =	sand.u32 $0x4000, s31;
	s1 =	sadd.s32 s1, s30  }
0xb9: {  	s0 =	sor.u32 s3, s0;
	s1 =	sshll.u32 s1, $0x11  }
0xba: {  	s0 =	sor.u32 s1, s0  }
0xbb: {  	s0 =	sadd.s32 $0x8F2B, s0  }
0xbc: {  	[sflag:s0] =	ssyncadd.remote.s32 $0x1  }
0xbd: {  	_ =	sfence.sel $0xFFFF  }
0xbe: {  	[dreg:$0x0] =	wrdreg $0xFFFFFFFF;
	(pc) =	sbr.abs _section_cstart, $3  }
0xbf: {  	[dreg:$0x1] =	wrdreg $0xFFFFFFFF  }
0xc0: {  	_ =	task.clear_ibuf [dreg:s6], $0x2FFFF;
	_ =	strace $0x9FFFFFFF  }
0xc1: {  	(tm) =	ssettm $0x7FFFFFFF  }
tec
execute0_lowered:
.L_overlay_start_1:
0x0: {  	(tag) =	ssettag $0x1  }
0x1: {  	s1 =	srdreg.scid  }
0x2: {  	s0 =	stileid.u32;
	s3 =	rddreg [dreg:$0x0]  }
0x3: {  	s2 =	simm.s32 $0x0;
	s9 =	simm.s32 $0x1900;
	s10 =	simm.s32 $0x5900  }
0x4: {  	s11 =	simm.s32 $0x9900;
	s12 =	simm.s32 $0xD900;
	s13 =	simm.s32 $0x11900  }
0x5: {  	s14 =	simm.s32 $0x1;
	s15 =	simm.s32 $0x0;
	s4 =	sand.u32 $0x1, s1  }
0x6: {  	s5 =	sshll.u32 s0, $0x1;
	s1 =	rddreg [dreg:$0x1];
	s6 =	smul.u32 $0x32000, s0  }
0x7: {  	s5 =	sor.u32 s4, s5;
	s7 =	ssub.s32 $0x2, s4;
	s4 =	smul.u32 $0x19000, s4  }
0x8: {  	[smem:$0x7FF] =	sst s2;
	s5 =	smul.u32 $0x1900, s5;
	s8 =	sshrl.u32 s7, $0x1  }
0x9: {  	_ =	strace $0x80000047;
	s6 =	sadd.s32 s6, s3;
	s7 =	ssub.s32 s7, s8  }
0xa: {  	s6 =	sadd.s32 s4, s6;
	s8 =	simm.s32 $0x80;
	s5 =	sshrl.u32 s5, $0x3  }
0xb: {  	s6 =	sadd.s32 $0x7200, s6;
	s5 =	sadd.s32 s5, s3;
	s3 =	sadd.s32 $0xF49600, s3  }
0xc: {  	s4 =	sadd.s32 $0xE00, s5;
	s5 =	smax.u32 s7, $0x1;
	s7 =	simm.s32 $0x2  }
.LBB2_1:
0xd: {  	[tilespmem:s2], [sflag:$0x2] =	stream.linear.gather [hbm4b:s4+s2], $0x1900, $0x38;
	[tilespmem:$0x15900] =	vst v63  }
0xe: {  	_ =	swait.ge [sflag:s7], $0x1900  }
0xf: {  	[sflag:s7] =	ssyncset.done $0x0  }
0x10: {  	s16 =	simm.s32 $0x0;
	[sflag:s7] =	ssyncadd.s32 $0xFFFFE700  }
0x11: {  	[tilespmem:s9], [sflag:$0x1] =	stream.indirect.gather [hbm4b:s3+s8], $0x80, s16, s8, $0xb8;
	[tilespmem:$0x15900] =	vst v63  }
0x12: {  	s28 =	simm.s32 $0x80  }
0x13: {  	[tilespmem:s10], [sflag:$0x1] =	stream.indirect.gather [hbm4b:s3+s8], $0x80, s28, s8, $0xb8;
	[tilespmem:$0x15900] =	vst v63  }
0x14: {  	s29 =	simm.s32 $0x100  }
0x15: {  	[tilespmem:s11], [sflag:$0x1] =	stream.indirect.gather [hbm4b:s3+s8], $0x80, s29, s8, $0xb8;
	[tilespmem:$0x15900] =	vst v63  }
0x16: {  	s30 =	simm.s32 $0x180  }
0x17: {  	[tilespmem:s12], [sflag:$0x1] =	stream.indirect.gather [hbm4b:s3+s8], $0x80, s30, s8, $0xb8;
	[tilespmem:$0x15900] =	vst v63  }
0x18: {  	s31 =	simm.s32 $0x200  }
0x19: {  	[tilespmem:s13], [sflag:$0x1] =	stream.indirect.gather [hbm4b:s3+s8], $0x80, s31, s8, $0xb8;
	[tilespmem:$0x15900] =	vst v63  }
0x1a: {  	_ =	swait.ge [sflag:s14], $0x4000  }
0x1b: {  	[sflag:s14] =	ssyncset.done $0x0  }
0x1c: {  	[sflag:s14] =	ssyncadd.s32 $0xFFFFC000  }
0x1d: {  	_ =	swait.ge [sflag:s14], $0x4000  }
0x1e: {  	[sflag:s14] =	ssyncset.done $0x0  }
0x1f: {  	[sflag:s14] =	ssyncadd.s32 $0xFFFFC000  }
0x20: {  	_ =	swait.ge [sflag:s14], $0x4000  }
0x21: {  	[sflag:s14] =	ssyncset.done $0x0  }
0x22: {  	[sflag:s14] =	ssyncadd.s32 $0xFFFFC000  }
0x23: {  	_ =	swait.ge [sflag:s14], $0x4000  }
0x24: {  	[sflag:s14] =	ssyncset.done $0x0  }
0x25: {  	[sflag:s14] =	ssyncadd.s32 $0xFFFFC000  }
0x26: {  	_ =	swait.ge [sflag:s14], $0x4000  }
0x27: {  	[sflag:s14] =	ssyncset.done $0x0  }
0x28: {  	[sflag:s14] =	ssyncadd.s32 $0xFFFFC000  }
0x29: {  	[hbm4b:s6+s2] =	stream.linear.scatter [tilespmem:s9], [sflag:$0x2], $0x14000, $0x38;
	[tilespmem:$0x15900] =	vst v63  }
0x2a: {  	s17 =	simm.s32 $0xA00;
	_ =	swait.ge [sflag:s7], $0x14000  }
0x2b: {  	s18 =	simm.s32 $0x1400;
	s16 =	sadd.s32 $0x2800, s6;
	[sflag:s7] =	ssyncset.done $0x0  }
.LBB2_2:
0x2c: {  	s19 =	sshra.s32 s17, $0x2  }
0x2d: {  	[sflag:s7] =	ssyncadd.s32 $0xFFFEC000;
	s17 =	smov.u32 s18;
	s20 =	sadd.s32 $0xA00, s18  }
0x2e: {  	[tilespmem:s9], [sflag:$0x1] =	stream.indirect.gather [hbm4b:s3+s8], $0x80, s19, s8, $0xb8;
	[tilespmem:$0x15900] =	vst v63  }
0x2f: {  	p0 =	sne.s32 s18, $0x5A00;
	s18 =	sadd.s32 $0x80, s19  }
0x30: {  	[tilespmem:s10], [sflag:$0x1] =	stream.indirect.gather [hbm4b:s3+s8], $0x80, s18, s8, $0xb8;
	[tilespmem:$0x15900] =	vst v63  }
0x31: {  	s18 =	sadd.s32 $0x100, s19  }
0x32: {  	[tilespmem:s11], [sflag:$0x1] =	stream.indirect.gather [hbm4b:s3+s8], $0x80, s18, s8, $0xb8;
	[tilespmem:$0x15900] =	vst v63  }
0x33: {  	s18 =	sadd.s32 $0x180, s19  }
0x34: {  	[tilespmem:s12], [sflag:$0x1] =	stream.indirect.gather [hbm4b:s3+s8], $0x80, s18, s8, $0xb8;
	[tilespmem:$0x15900] =	vst v63  }
0x35: {  	s18 =	sadd.s32 $0x200, s19  }
0x36: {  	[tilespmem:s13], [sflag:$0x1] =	stream.indirect.gather [hbm4b:s3+s8], $0x80, s18, s8, $0xb8;
	[tilespmem:$0x15900] =	vst v63  }
0x37: {  	_ =	swait.ge [sflag:s14], $0x4000  }
0x38: {  	[sflag:s14] =	ssyncset.done $0x0  }
0x39: {  	[sflag:s14] =	ssyncadd.s32 $0xFFFFC000  }
0x3a: {  	_ =	swait.ge [sflag:s14], $0x4000  }
0x3b: {  	[sflag:s14] =	ssyncset.done $0x0  }
0x3c: {  	[sflag:s14] =	ssyncadd.s32 $0xFFFFC000  }
0x3d: {  	_ =	swait.ge [sflag:s14], $0x4000  }
0x3e: {  	[sflag:s14] =	ssyncset.done $0x0  }
0x3f: {  	[sflag:s14] =	ssyncadd.s32 $0xFFFFC000  }
0x40: {  	_ =	swait.ge [sflag:s14], $0x4000  }
0x41: {  	[sflag:s14] =	ssyncset.done $0x0  }
0x42: {  	[sflag:s14] =	ssyncadd.s32 $0xFFFFC000  }
0x43: {  	_ =	swait.ge [sflag:s14], $0x4000  }
.Ltmp0:
0x44: {  	[sflag:s14] =	ssyncset.done $0x0;
	(pc) =	sbr.rel @p0 .LBB2_2-.Ltmp0, $4  }
0x45: {  	[sflag:s14] =	ssyncadd.s32 $0xFFFFC000  }
0x46: {  	[hbm4b:s16+s2] =	stream.linear.scatter [tilespmem:s9], [sflag:$0x2], $0x14000, $0x38;
	[tilespmem:$0x15900] =	vst v63  }
0x47: {  	_ =	swait.ge [sflag:s7], $0x14000  }
0x48: {  	s18 =	smov.u32 s20;
	s16 =	sadd.s32 $0x2800, s16;
	[sflag:s7] =	ssyncset.done $0x0  }
0x49: {  	s17 =	sshra.s32 s17, $0x2;
	[sflag:s7] =	ssyncadd.s32 $0xFFFEC000  }
0x4a: {  	[tilespmem:s9], [sflag:$0x1] =	stream.indirect.gather [hbm4b:s3+s8], $0x80, s17, s8, $0xb8;
	[tilespmem:$0x15900] =	vst v63  }
0x4b: {  	s18 =	sadd.s32 $0x80, s17  }
0x4c: {  	[tilespmem:s10], [sflag:$0x1] =	stream.indirect.gather [hbm4b:s3+s8], $0x80, s18, s8, $0xb8;
	[tilespmem:$0x15900] =	vst v63  }
0x4d: {  	s30 =	sadd.s32 $0x100, s17  }
0x4e: {  	[tilespmem:s11], [sflag:$0x1] =	stream.indirect.gather [hbm4b:s3+s8], $0x80, s30, s8, $0xb8;
	[tilespmem:$0x15900] =	vst v63  }
0x4f: {  	s31 =	sadd.s32 $0x180, s17  }
0x50: {  	[tilespmem:s12], [sflag:$0x1] =	stream.indirect.gather [hbm4b:s3+s8], $0x80, s31, s8, $0xb8;
	[tilespmem:$0x15900] =	vst v63  }
0x51: {  	s17 =	sadd.s32 $0x200, s17  }
0x52: {  	[tilespmem:s13], [sflag:$0x1] =	stream.indirect.gather [hbm4b:s3+s8], $0x80, s17, s8, $0xb8;
	[tilespmem:$0x15900] =	vst v63  }
0x53: {  	_ =	swait.ge [sflag:s14], $0x4000  }
0x54: {  	[sflag:s14] =	ssyncset.done $0x0  }
0x55: {  	[sflag:s14] =	ssyncadd.s32 $0xFFFFC000  }
0x56: {  	_ =	swait.ge [sflag:s14], $0x4000  }
0x57: {  	[sflag:s14] =	ssyncset.done $0x0  }
0x58: {  	[sflag:s14] =	ssyncadd.s32 $0xFFFFC000  }
0x59: {  	_ =	swait.ge [sflag:s14], $0x4000  }
0x5a: {  	[sflag:s14] =	ssyncset.done $0x0  }
0x5b: {  	[sflag:s14] =	ssyncadd.s32 $0xFFFFC000  }
0x5c: {  	_ =	swait.ge [sflag:s14], $0x4000  }
0x5d: {  	[sflag:s14] =	ssyncset.done $0x0  }
0x5e: {  	[sflag:s14] =	ssyncadd.s32 $0xFFFFC000  }
0x5f: {  	s15 =	sadd.s32 $0x1, s15;
	_ =	swait.ge [sflag:s14], $0x4000  }
0x60: {  	p0 =	sne.s32 s15, s5;
	[sflag:s14] =	ssyncset.done $0x0  }
.Ltmp1:
0x61: {  	[sflag:s14] =	ssyncadd.s32 $0xFFFFC000;
	(pc) =	sbr.rel @p0 .LBB2_1-.Ltmp1, $4  }
0x62: {  	[hbm4b:s16+s2] =	stream.linear.scatter [tilespmem:s9], [sflag:$0x2], $0x14000, $0x38;
	[tilespmem:$0x15900] =	vst v63  }
0x63: {  	_ =	swait.ge [sflag:s7], $0x14000  }
0x64: {  	[sflag:s7] =	ssyncset.done $0x0  }
0x65: {  	[sflag:s7] =	ssyncadd.s32 $0xFFFEC000  }
0x66: {  	_ =	sfence.sel $0x180000  }
0x67: {  	[bflag:$0x0] =	sbarrier.arrive $0xFFFF  }
0x68: {  	p0 =	sne.s32 s0, $0x0;
	_ =	strace $0x90000047  }
0x69: {  	s0 =	sadd.s32 @!p0 $0x100000, s1;
	[bflag:$0x2] =	sbarrier.arrive $0xFFFF  }
0x6a: {  	[sflag:s0] =	ssyncadd.tile.s32 @!p0 $0x1;
	_ =	shalt  }
.Lfunc_end2:
_tile_overlayer_lowered:
.L_overlay_start_2:
0x6b: {  	(tag) =	ssettag $0x2  }
0x6c: {  	s0 =	rddreg [dreg:$0x0];
	s2 =	stileid.u32  }
0x6d: {  	s1 =	rddreg [dreg:$0x1];
	p0 =	sne.s32 s2, $0x0  }
0x6e: {  	s3 =	rddreg [dreg:$0x2];
	[bflag:$0x3] =	sbarrier.arrive $0xFFFF;
	s2 =	simm.s32 @!p0 $0x1C02  }
0x6f: {  	[timem:s3], [sflag:s2] =	dma.local @!p0 [hbm:s0], s1  }
0x70: {  	s0 =	simm.s32 @!p0 $0x2  }
0x71: {  	_ =	swait.ge @!p0 [sflag:s0], s1  }
0x72: {  	s1 =	ssub.s32 @!p0 $0x0, s1;
	[sflag:s0] =	ssyncset.done @!p0 $0x0  }
0x73: {  	[sflag:s0] =	ssyncadd.s32 @!p0 s1  }
0x74: {  	[bflag:$0x3] =	sbarrier.arrive $0xFFFF  }
0x75: {  	_ =	shalt  }

</sc_bundles>
